<compile_context>
chip_gen: v7x
topology: tpu7x:2x2x1
jax: 0.10.2.dev20260603
libtpu: 0.0.44.dev20260713+nightly
codegen_flags: <defaults>
</compile_context>

<pallas_src>
import jax
import jax.numpy as jnp
from jax.experimental import pallas as pl
from jax.experimental.pallas import tpu as pltpu

S = 2048
DIM = 1024
V0, V1, V2 = 10000, 20000, 30000
VTOT = V0 + V1 + V2
K1, K2 = DIM // 4, DIM // 16
VT = 1024
NB = 59
LAST_W = VTOT - (NB - 1) * VT
T1_START = V0 // VT
T2_START = (V0 + V1) // VT
B1 = V0 - T1_START * VT
B2 = (V0 + V1) - T2_START * VT
SH1 = VT - B1
SH2 = VT - B2
NE1 = (V1 + VT - 1) // VT
NE2 = (V2 + VT - 1) // VT
NSLOT = 3
DN = (((1,), (1,)), ((), ()))


def _body(h_ref, p1_ref, p2_ref, cw_ref, cb_ref, e0_ref, e1a_ref, e1b_ref,
          e2a_ref, e2b_ref, out_ref, h1s, h2s, lts, scratch, last_scratch,
          sems, sems2, last_sem):
    v = pl.program_id(0)
    slot = jax.lax.rem(v, NSLOT)

    @pl.when(v == 1)
    def _prep():
        h = h_ref[...]
        h1s[...] = jax.lax.dot_general(
            h, p1_ref[...], (((1,), (0,)), ((), ())),
            preferred_element_type=jnp.float32).astype(jnp.bfloat16)
        h2s[...] = jax.lax.dot_general(
            h, p2_ref[...], (((1,), (0,)), ((), ())),
            preferred_element_type=jnp.float32).astype(jnp.bfloat16)
        lt = jax.lax.dot_general(h, cw_ref[...], DN,
                                 preferred_element_type=jnp.float32)
        lts[...] = lt + cb_ref[...]

    HALF = S // 2

    def out_copy_top(step, slot):
        return pltpu.make_async_copy(
            scratch.at[slot, pl.ds(0, HALF), :],
            out_ref.at[pl.ds(0, HALF), pl.ds(step * VT, VT)],
            sems.at[slot])

    def out_copy_bot(step, slot):
        return pltpu.make_async_copy(
            scratch.at[slot, pl.ds(HALF, HALF), :],
            out_ref.at[pl.ds(HALF, HALF), pl.ds(step * VT, VT)],
            sems2.at[slot])

    @pl.when(jnp.logical_and(v >= NSLOT, v < NB - 1))
    def _():
        out_copy_top(v - NSLOT, slot).wait()
        out_copy_bot(v - NSLOT, slot).wait()

    def head_mm():
        e0 = e0_ref[...].astype(jnp.bfloat16)
        return jax.lax.dot_general(h_ref[...].astype(jnp.bfloat16), e0, DN,
                                   preferred_element_type=jnp.float32)

    def t1_mm():
        e1 = jnp.concatenate([e1a_ref[SH1:, :], e1b_ref[:SH1, :]],
                             axis=0).astype(jnp.bfloat16)
        mm = jax.lax.dot_general(h1s[...], e1, DN,
                                 preferred_element_type=jnp.float32)
        return mm + lts[:, 0:1]

    def t2_mm():
        e2 = jnp.concatenate([e2a_ref[SH2:, :], e2b_ref[:SH2, :]],
                             axis=0).astype(jnp.bfloat16)
        mm = jax.lax.dot_general(h2s[...], e2, DN,
                                 preferred_element_type=jnp.float32)
        return mm + lts[:, 1:2]

    col = jax.lax.broadcasted_iota(jnp.int32, (1, VT), 1)

    @pl.when(v < T1_START)
    def _head():
        scratch[slot] = head_mm()

    @pl.when(v == T1_START)
    def _mixed1():
        scratch[slot] = jnp.where(col < B1, head_mm(), t1_mm())

    @pl.when(jnp.logical_and(v > T1_START, v < T2_START))
    def _tail1():
        scratch[slot] = t1_mm()

    @pl.when(v == T2_START)
    def _mixed2():
        scratch[slot] = jnp.where(col < B2, t1_mm(), t2_mm())

    @pl.when(jnp.logical_and(v > T2_START, v < NB - 1))
    def _tail2():
        scratch[slot] = t2_mm()

    @pl.when(v < NB - 1)
    def _():
        out_copy_top(v, slot).start()
        out_copy_bot(v, slot).start()

    last_copy = pltpu.make_async_copy(
        last_scratch,
        out_ref.at[:, pl.ds((NB - 1) * VT, LAST_W)],
        last_sem)

    @pl.when(v == NB - 1)
    def _last():
        last_scratch[...] = t2_mm()[:, :LAST_W]
        last_copy.start()
        for i in range(1, NSLOT + 1):
            out_copy_top(NB - 1 - i, (NB - 1 - i) % NSLOT).wait()
            out_copy_bot(NB - 1 - i, (NB - 1 - i) % NSLOT).wait()
        last_copy.wait()


def kernel(hidden, input, embed0_w, embed1_w, embed2_w, proj1_w, proj2_w,
           classes_w, classes_b):
    del input
    h = hidden.reshape(S, DIM)
    cb = classes_b.reshape(1, 2)

    out = pl.pallas_call(
        _body,
        grid=(NB,),
        in_specs=[
            pl.BlockSpec((S, DIM), lambda v: (0, 0)),
            pl.BlockSpec((DIM, K1), lambda v: (0, 0)),
            pl.BlockSpec((DIM, K2), lambda v: (0, 0)),
            pl.BlockSpec((2, DIM), lambda v: (0, 0)),
            pl.BlockSpec((1, 2), lambda v: (0, 0)),
            pl.BlockSpec((VT, DIM), lambda v: (jnp.minimum(v, T1_START), 0)),
            pl.BlockSpec((VT, K1),
                         lambda v: (jnp.clip(v - T1_START - 1, 0, NE1 - 1), 0)),
            pl.BlockSpec((VT, K1),
                         lambda v: (jnp.clip(v - T1_START, 0, NE1 - 1), 0)),
            pl.BlockSpec((VT, K2),
                         lambda v: (jnp.clip(v - T2_START - 1, 0, NE2 - 1), 0)),
            pl.BlockSpec((VT, K2),
                         lambda v: (jnp.clip(v - T2_START, 0, NE2 - 1), 0)),
        ],
        out_specs=pl.BlockSpec(memory_space=pl.ANY),
        out_shape=jax.ShapeDtypeStruct((S, VTOT), jnp.float32),
        scratch_shapes=[
            pltpu.VMEM((S, K1), jnp.bfloat16),
            pltpu.VMEM((S, K2), jnp.bfloat16),
            pltpu.VMEM((S, 2), jnp.float32),
            pltpu.VMEM((NSLOT, S, VT), jnp.float32),
            pltpu.VMEM((S, LAST_W), jnp.float32),
            pltpu.SemaphoreType.DMA((NSLOT,)),
            pltpu.SemaphoreType.DMA((NSLOT,)),
            pltpu.SemaphoreType.DMA,
        ],
        compiler_params=pltpu.CompilerParams(
            dimension_semantics=("arbitrary",),
            vmem_limit_bytes=100 * 1024 * 1024,
        ),
    )(h, proj1_w, proj2_w, classes_w, cb, embed0_w, embed1_w, embed1_w,
      embed2_w, embed2_w)

    return out.reshape(1, S, VTOT)

# --- scband reference (transcript-rebuilt; emitter-appended) ---
"""Pipeline reference for scband-adaptive-tied-input-softmax-68607807587023 (READ-ONLY COPY).

The authoritative reference and input builder live on the scoring server;
editing this copy changes nothing except your own understanding.
"""

import jax, jax.numpy as jnp
import numpy as np

LAYERS = 3
DIM = 1024
VOCAB_SIZES = [10000, 20000, 30000]
B, S = 1, 2048

def setup_inputs(seed: int = 0) -> dict:
    key = jax.random.key(seed)
    ks = jax.random.split(key, 10)
    hidden = jax.random.normal(ks[0], (B, S, DIM), dtype=jnp.float32)
    inp = jax.random.randint(ks[1], (B, S), 0, sum(VOCAB_SIZES))
    # embedding tables: vocab_dim = dim // 4**layer -> 1024, 256, 64
    embed0_w = jax.random.normal(ks[2], (VOCAB_SIZES[0], DIM), dtype=jnp.float32) * 0.02
    embed1_w = jax.random.normal(ks[3], (VOCAB_SIZES[1], DIM // 4), dtype=jnp.float32) * 0.02
    embed2_w = jax.random.normal(ks[4], (VOCAB_SIZES[2], DIM // 16), dtype=jnp.float32) * 0.02
    # nn.Linear(vocab_dim, dim, bias=False).weight has shape [dim, vocab_dim]
    proj1_w = jax.random.normal(ks[5], (DIM, DIM // 4), dtype=jnp.float32) * 0.02
    proj2_w = jax.random.normal(ks[6], (DIM, DIM // 16), dtype=jnp.float32) * 0.02
    # classes = nn.Linear(dim, layers-1)
    classes_w = jax.random.normal(ks[7], (LAYERS - 1, DIM), dtype=jnp.float32) * 0.02
    classes_b = jnp.zeros((LAYERS - 1,), dtype=jnp.float32)
    return {
        'hidden': hidden,
        'input': inp,
        'embed0_w': embed0_w,
        'embed1_w': embed1_w,
        'embed2_w': embed2_w,
        'proj1_w': proj1_w,
        'proj2_w': proj2_w,
        'classes_w': classes_w,
        'classes_b': classes_b,
    }

def reference(hidden, input, embed0_w, embed1_w, embed2_w, proj1_w, proj2_w, classes_w, classes_b):
    # get_logits(hidden, input): head logits via tied embedding weight
    # torch: bmm(hidden, embed0_w.T) with batched expand == einsum
    logits_head = jnp.einsum('bsd,vd->bsv', hidden, embed0_w)
    # l_tail = classes(hidden): [B, S, layers-1]
    l_tail = jnp.einsum('bsd,cd->bsc', hidden, classes_w) + classes_b
    outs = [logits_head]
    # tail cluster 1: bmm(hidden, proj1_w [dim, vocab_dim]) then bmm(., embed1_w.T)
    t1 = jnp.einsum('bsd,dk->bsk', hidden, proj1_w)
    t1 = jnp.einsum('bsk,vk->bsv', t1, embed1_w)
    t1 = t1 + l_tail[:, :, 0:1]
    outs.append(t1)
    # tail cluster 2
    t2 = jnp.einsum('bsd,dk->bsk', hidden, proj2_w)
    t2 = jnp.einsum('bsk,vk->bsv', t2, embed2_w)
    t2 = t2 + l_tail[:, :, 1:2]
    outs.append(t2)
    logits = jnp.concatenate(outs, axis=-1)
    return logits

if __name__ == "__main__":
    import jax
    _d = setup_inputs()
    print(jax.jit(kernel)(*tuple(_d.values())))

</pallas_src>

<mosaic_0001>
module attributes {stable_mosaic.version = 14 : i64} {
  func.func @_body(%arg0: i32, %arg1: memref<2048x1024xf32, #tpu.memory_space<vmem>>, %arg2: memref<1024x256xf32, #tpu.memory_space<vmem>>, %arg3: memref<1024x64xf32, #tpu.memory_space<vmem>>, %arg4: memref<2x1024xf32, #tpu.memory_space<vmem>>, %arg5: memref<1x2xf32, #tpu.memory_space<vmem>>, %arg6: memref<1024x1024xf32, #tpu.memory_space<vmem>>, %arg7: memref<1024x256xf32, #tpu.memory_space<vmem>>, %arg8: memref<1024x256xf32, #tpu.memory_space<vmem>>, %arg9: memref<1024x64xf32, #tpu.memory_space<vmem>>, %arg10: memref<1024x64xf32, #tpu.memory_space<vmem>>, %arg11: memref<2048x60000xf32, #tpu.memory_space<any>>, %arg12: memref<2048x256xbf16, #tpu.memory_space<vmem>>, %arg13: memref<2048x64xbf16, #tpu.memory_space<vmem>>, %arg14: memref<2048x2xf32, #tpu.memory_space<vmem>>, %arg15: memref<3x2048x1024xf32, #tpu.memory_space<vmem>>, %arg16: memref<2048x608xf32, #tpu.memory_space<vmem>>, %arg17: memref<3x!tpu.dma_semaphore, #tpu.memory_space<semaphore_mem>>, %arg18: memref<3x!tpu.dma_semaphore, #tpu.memory_space<semaphore_mem>>, %arg19: memref<!tpu.dma_semaphore, #tpu.memory_space<semaphore_mem>>) attributes {dimension_semantics = [#tpu.dimension_semantics<arbitrary>], iteration_bounds = array<i64: 59>, scalar_prefetch = 0 : i64, scratch_operands = 8 : i64, tpu.core_type = #tpu.core_type<tc>, window_params = [{pipeline_mode = #tpu.pipeline_mode<synchronous>, transform_indices = @transform_0, window_bounds = array<i64: 2048, 1024>}, {pipeline_mode = #tpu.pipeline_mode<synchronous>, transform_indices = @transform_1, window_bounds = array<i64: 1024, 256>}, {pipeline_mode = #tpu.pipeline_mode<synchronous>, transform_indices = @transform_2, window_bounds = array<i64: 1024, 64>}, {pipeline_mode = #tpu.pipeline_mode<synchronous>, transform_indices = @transform_3, window_bounds = array<i64: 2, 1024>}, {pipeline_mode = #tpu.pipeline_mode<synchronous>, transform_indices = @transform_4, window_bounds = array<i64: 1, 2>}, {transform_indices = @transform_5, window_bounds = array<i64: 1024, 1024>}, {transform_indices = @transform_6, window_bounds = array<i64: 1024, 256>}, {transform_indices = @transform_7, window_bounds = array<i64: 1024, 256>}, {transform_indices = @transform_8, window_bounds = array<i64: 1024, 64>}, {transform_indices = @transform_9, window_bounds = array<i64: 1024, 64>}, {}]} {
    %rem3A = arith.constant 3 : i32
    %rem3A_0 = arith.remsi %arg0, %rem3A : i32
    %eq3A = arith.constant 1 : i32
    %eq3A_1 = arith.cmpi eq, %arg0, %eq3A : i32
    %convert_element_type3A = arith.extui %eq3A_1 : i1 to i32
    %cond3A = arith.constant 0 : i32
    %cond3A_2 = arith.cmpi ne, %convert_element_type3A, %cond3A : i32
    scf.if %cond3A_2 {
      %get3A = arith.constant 0 : index
      %get3A_48 = arith.constant 0 : index
      %get3A_49 = vector.load %arg1[%get3A, %get3A_48] : memref<2048x1024xf32, #tpu.memory_space<vmem>>, vector<2048x1024xf32>
      %get3A_50 = arith.constant 0 : index
      %get3A_51 = arith.constant 0 : index
      %get3A_52 = vector.load %arg2[%get3A_50, %get3A_51] : memref<1024x256xf32, #tpu.memory_space<vmem>>, vector<1024x256xf32>
      %dot_general3A = arith.constant dense<0.000000e+00> : vector<2048x256xf32>
      %dot_general3A_53 = tpu.matmul %get3A_49, %get3A_52, %dot_general3A {dimension_numbers = #tpu.dot_dimension_numbers<[1], [0], [0], [1], [0, 0, 1, 1], [], []>, transpose_lhs_hint = false} : vector<2048x1024xf32>, vector<1024x256xf32>, vector<2048x256xf32> -> vector<2048x256xf32>
      %convert_element_type3A_54 = arith.truncf %dot_general3A_53 : vector<2048x256xf32> to vector<2048x256xbf16>
      %swap3A = arith.constant 0 : index
      %swap3A_55 = arith.constant 0 : index
      %swap3A_56 = vector.load %arg12[%swap3A, %swap3A_55] : memref<2048x256xbf16, #tpu.memory_space<vmem>>, vector<2048x256xbf16>
      tpu.vector_store %arg12[%swap3A, %swap3A_55], %convert_element_type3A_54 {strides = array<i32>} : memref<2048x256xbf16, #tpu.memory_space<vmem>>, vector<2048x256xbf16>,
      %get3A_57 = arith.constant 0 : index
      %get3A_58 = arith.constant 0 : index
      %get3A_59 = vector.load %arg3[%get3A_57, %get3A_58] : memref<1024x64xf32, #tpu.memory_space<vmem>>, vector<1024x64xf32>
      %dot_general3A_60 = arith.constant dense<0.000000e+00> : vector<2048x64xf32>
      %dot_general3A_61 = tpu.matmul %get3A_49, %get3A_59, %dot_general3A_60 {dimension_numbers = #tpu.dot_dimension_numbers<[1], [0], [0], [1], [0, 0, 1, 1], [], []>, transpose_lhs_hint = false} : vector<2048x1024xf32>, vector<1024x64xf32>, vector<2048x64xf32> -> vector<2048x64xf32>
      %convert_element_type3A_62 = arith.truncf %dot_general3A_61 : vector<2048x64xf32> to vector<2048x64xbf16>
      %swap3A_63 = arith.constant 0 : index
      %swap3A_64 = arith.constant 0 : index
      %swap3A_65 = vector.load %arg13[%swap3A_63, %swap3A_64] : memref<2048x64xbf16, #tpu.memory_space<vmem>>, vector<2048x64xbf16>
      tpu.vector_store %arg13[%swap3A_63, %swap3A_64], %convert_element_type3A_62 {strides = array<i32>} : memref<2048x64xbf16, #tpu.memory_space<vmem>>, vector<2048x64xbf16>,
      %get3A_66 = arith.constant 0 : index
      %get3A_67 = arith.constant 0 : index
      %get3A_68 = vector.load %arg4[%get3A_66, %get3A_67] : memref<2x1024xf32, #tpu.memory_space<vmem>>, vector<2x1024xf32>
      %dot_general3A_69 = arith.constant dense<0.000000e+00> : vector<2048x2xf32>
      %dot_general3A_70 = tpu.matmul %get3A_49, %get3A_68, %dot_general3A_69 {dimension_numbers = #tpu.dot_dimension_numbers<[1], [1], [0], [0], [0, 0, 1, 0], [], []>, transpose_lhs_hint = false} : vector<2048x1024xf32>, vector<2x1024xf32>, vector<2048x2xf32> -> vector<2048x2xf32>
      %get3A_71 = arith.constant 0 : index
      %get3A_72 = arith.constant 0 : index
      %get3A_73 = vector.load %arg5[%get3A_71, %get3A_72] : memref<1x2xf32, #tpu.memory_space<vmem>>, vector<1x2xf32>
      %add3A = vector.broadcast %get3A_73 : vector<1x2xf32> to vector<2048x2xf32>
      %add3A_74 = arith.addf %dot_general3A_70, %add3A : vector<2048x2xf32>
      %swap3A_75 = arith.constant 0 : index
      %swap3A_76 = arith.constant 0 : index
      %swap3A_77 = vector.load %arg14[%swap3A_75, %swap3A_76] : memref<2048x2xf32, #tpu.memory_space<vmem>>, vector<2048x2xf32>
      tpu.vector_store %arg14[%swap3A_75, %swap3A_76], %add3A_74 {strides = array<i32>} : memref<2048x2xf32, #tpu.memory_space<vmem>>, vector<2048x2xf32>,
    } else {
    }
    %ge3A = arith.constant 3 : i32
    %ge3A_3 = arith.cmpi sge, %arg0, %ge3A : i32
    %lt3A = arith.constant 58 : i32
    %lt3A_4 = arith.cmpi slt, %arg0, %lt3A : i32
    %and3A = arith.andi %ge3A_3, %lt3A_4 : i1
    %convert_element_type3A_5 = arith.extui %and3A : i1 to i32
    %cond3A_6 = arith.constant 0 : i32
    %cond3A_7 = arith.cmpi ne, %convert_element_type3A_5, %cond3A_6 : i32
    scf.if %cond3A_7 {
      %sub3A = arith.constant 3 : i32
      %sub3A_48 = arith.subi %arg0, %sub3A : i32
      %mul3A = arith.constant 1024 : i32
      %mul3A_49 = arith.muli %sub3A_48, %mul3A : i32
      %dma_wait3A = tpu.memref_slice %arg17[%rem3A_0] : memref<3x!tpu.dma_semaphore, #tpu.memory_space<semaphore_mem>> -> memref<1x!tpu.dma_semaphore, #tpu.memory_space<semaphore_mem>>
      %dma_wait3A_50 = tpu.memref_squeeze %dma_wait3A : memref<1x!tpu.dma_semaphore, #tpu.memory_space<semaphore_mem>> -> memref<!tpu.dma_semaphore, #tpu.memory_space<semaphore_mem>>
      %dma_wait3A_51 = arith.constant 0 : i32
      %dma_wait3A_52 = tpu.memref_slice %arg11[%dma_wait3A_51, %mul3A_49] : memref<2048x60000xf32, #tpu.memory_space<any>> -> memref<1024x1024xf32, #tpu.memory_space<any>>
      %dma_wait3A_53 = arith.constant 0 : i32
      %dma_wait3A_54 = arith.constant 0 : i32
      %dma_wait3A_55 = tpu.memref_slice %arg15[%rem3A_0, %dma_wait3A_53, %dma_wait3A_54] : memref<3x2048x1024xf32, #tpu.memory_space<vmem>> -> memref<1x1024x1024xf32, #tpu.memory_space<vmem>>
      %dma_wait3A_56 = tpu.memref_squeeze %dma_wait3A_55 : memref<1x1024x1024xf32, #tpu.memory_space<vmem>> -> memref<1024x1024xf32, #tpu.memory_space<vmem>>
      tpu.wait_dma2 semaphore(%dma_wait3A_50 : memref<!tpu.dma_semaphore, #tpu.memory_space<semaphore_mem>>) src(%dma_wait3A_56 : memref<1024x1024xf32, #tpu.memory_space<vmem>>) dst(%dma_wait3A_52 : memref<1024x1024xf32, #tpu.memory_space<any>>)
      %sub3A_57 = arith.constant 3 : i32
      %sub3A_58 = arith.subi %arg0, %sub3A_57 : i32
      %mul3A_59 = arith.constant 1024 : i32
      %mul3A_60 = arith.muli %sub3A_58, %mul3A_59 : i32
      %dma_wait3A_61 = tpu.memref_slice %arg18[%rem3A_0] : memref<3x!tpu.dma_semaphore, #tpu.memory_space<semaphore_mem>> -> memref<1x!tpu.dma_semaphore, #tpu.memory_space<semaphore_mem>>
      %dma_wait3A_62 = tpu.memref_squeeze %dma_wait3A_61 : memref<1x!tpu.dma_semaphore, #tpu.memory_space<semaphore_mem>> -> memref<!tpu.dma_semaphore, #tpu.memory_space<semaphore_mem>>
      %dma_wait3A_63 = arith.constant 1024 : i32
      %dma_wait3A_64 = tpu.memref_slice %arg11[%dma_wait3A_63, %mul3A_60] : memref<2048x60000xf32, #tpu.memory_space<any>> -> memref<1024x1024xf32, #tpu.memory_space<any>>
      %dma_wait3A_65 = arith.constant 1024 : i32
      %dma_wait3A_66 = arith.constant 0 : i32
      %dma_wait3A_67 = tpu.memref_slice %arg15[%rem3A_0, %dma_wait3A_65, %dma_wait3A_66] : memref<3x2048x1024xf32, #tpu.memory_space<vmem>> -> memref<1x1024x1024xf32, #tpu.memory_space<vmem>>
      %dma_wait3A_68 = tpu.memref_squeeze %dma_wait3A_67 : memref<1x1024x1024xf32, #tpu.memory_space<vmem>> -> memref<1024x1024xf32, #tpu.memory_space<vmem>>
      tpu.wait_dma2 semaphore(%dma_wait3A_62 : memref<!tpu.dma_semaphore, #tpu.memory_space<semaphore_mem>>) src(%dma_wait3A_68 : memref<1024x1024xf32, #tpu.memory_space<vmem>>) dst(%dma_wait3A_64 : memref<1024x1024xf32, #tpu.memory_space<any>>)
    } else {
    }
    %iota3A = tpu.iota {dimensions = array<i32: 1>} : vector<1x1024xi32>
    %lt3A_8 = arith.constant 9 : i32
    %lt3A_9 = arith.cmpi slt, %arg0, %lt3A_8 : i32
    %convert_element_type3A_10 = arith.extui %lt3A_9 : i1 to i32
    %cond3A_11 = arith.constant 0 : i32
    %cond3A_12 = arith.cmpi ne, %convert_element_type3A_10, %cond3A_11 : i32
    scf.if %cond3A_12 {
      %get3A = arith.constant 0 : index
      %get3A_48 = arith.constant 0 : index
      %get3A_49 = vector.load %arg6[%get3A, %get3A_48] : memref<1024x1024xf32, #tpu.memory_space<vmem>>, vector<1024x1024xf32>
      %convert_element_type3A_50 = arith.truncf %get3A_49 : vector<1024x1024xf32> to vector<1024x1024xbf16>
      %get3A_51 = arith.constant 0 : index
      %get3A_52 = arith.constant 0 : index
      %get3A_53 = vector.load %arg1[%get3A_51, %get3A_52] : memref<2048x1024xf32, #tpu.memory_space<vmem>>, vector<2048x1024xf32>
      %convert_element_type3A_54 = arith.truncf %get3A_53 : vector<2048x1024xf32> to vector<2048x1024xbf16>
      %dot_general3A = arith.constant dense<0.000000e+00> : vector<2048x1024xf32>
      %dot_general3A_55 = tpu.matmul %convert_element_type3A_54, %convert_element_type3A_50, %dot_general3A {dimension_numbers = #tpu.dot_dimension_numbers<[1], [1], [0], [0], [0, 0, 1, 0], [], []>, transpose_lhs_hint = false} : vector<2048x1024xbf16>, vector<1024x1024xbf16>, vector<2048x1024xf32> -> vector<2048x1024xf32>
      %swap3A = arith.index_cast %rem3A_0 : i32 to index
      %swap3A_56 = arith.constant 0 : index
      %swap3A_57 = arith.constant 0 : index
      %swap3A_58 = vector.load %arg15[%swap3A, %swap3A_56, %swap3A_57] : memref<3x2048x1024xf32, #tpu.memory_space<vmem>>, vector<1x2048x1024xf32>
      %swap3A_59 = vector.shape_cast %swap3A_58 : vector<1x2048x1024xf32> to vector<2048x1024xf32>
      %swap3A_60 = vector.shape_cast %dot_general3A_55 : vector<2048x1024xf32> to vector<1x2048x1024xf32>
      tpu.vector_store %arg15[%swap3A, %swap3A_56, %swap3A_57], %swap3A_60 {strides = array<i32>} : memref<3x2048x1024xf32, #tpu.memory_space<vmem>>, vector<1x2048x1024xf32>,
    } else {
    }
    %eq3A_13 = arith.constant 9 : i32
    %eq3A_14 = arith.cmpi eq, %arg0, %eq3A_13 : i32
    %convert_element_type3A_15 = arith.extui %eq3A_14 : i1 to i32
    %cond3A_16 = arith.constant 0 : i32
    %cond3A_17 = arith.cmpi ne, %convert_element_type3A_15, %cond3A_16 : i32
    scf.if %cond3A_17 {
      %lt3A_48 = arith.constant 784 : i32
      %lt3A_49 = vector.broadcast %lt3A_48 : i32 to vector<1x1024xi32>
      %lt3A_50 = arith.cmpi slt, %iota3A, %lt3A_49 : vector<1x1024xi32>
      %get3A = arith.constant 0 : index
      %get3A_51 = arith.constant 0 : index
      %get3A_52 = vector.load %arg6[%get3A, %get3A_51] : memref<1024x1024xf32, #tpu.memory_space<vmem>>, vector<1024x1024xf32>
      %convert_element_type3A_53 = arith.truncf %get3A_52 : vector<1024x1024xf32> to vector<1024x1024xbf16>
      %get3A_54 = arith.constant 0 : index
      %get3A_55 = arith.constant 0 : index
      %get3A_56 = vector.load %arg1[%get3A_54, %get3A_55] : memref<2048x1024xf32, #tpu.memory_space<vmem>>, vector<2048x1024xf32>
      %convert_element_type3A_57 = arith.truncf %get3A_56 : vector<2048x1024xf32> to vector<2048x1024xbf16>
      %dot_general3A = arith.constant dense<0.000000e+00> : vector<2048x1024xf32>
      %dot_general3A_58 = tpu.matmul %convert_element_type3A_57, %convert_element_type3A_53, %dot_general3A {dimension_numbers = #tpu.dot_dimension_numbers<[1], [1], [0], [0], [0, 0, 1, 0], [], []>, transpose_lhs_hint = false} : vector<2048x1024xbf16>, vector<1024x1024xbf16>, vector<2048x1024xf32> -> vector<2048x1024xf32>
      %get3A_59 = arith.constant 240 : index
      %get3A_60 = arith.constant 0 : index
      %get3A_61 = vector.load %arg7[%get3A_59, %get3A_60] : memref<1024x256xf32, #tpu.memory_space<vmem>>, vector<784x256xf32>
      %get3A_62 = arith.constant 0 : index
      %get3A_63 = arith.constant 0 : index
      %get3A_64 = vector.load %arg8[%get3A_62, %get3A_63] : memref<1024x256xf32, #tpu.memory_space<vmem>>, vector<240x256xf32>
      %concatenate3A = tpu.concatenate %get3A_61, %get3A_64 in 0 : vector<784x256xf32>, vector<240x256xf32> -> vector<1024x256xf32>
      %convert_element_type3A_65 = arith.truncf %concatenate3A : vector<1024x256xf32> to vector<1024x256xbf16>
      %get3A_66 = arith.constant 0 : index
      %get3A_67 = arith.constant 0 : index
      %get3A_68 = vector.load %arg12[%get3A_66, %get3A_67] : memref<2048x256xbf16, #tpu.memory_space<vmem>>, vector<2048x256xbf16>
      %dot_general3A_69 = arith.constant dense<0.000000e+00> : vector<2048x1024xf32>
      %dot_general3A_70 = tpu.matmul %get3A_68, %convert_element_type3A_65, %dot_general3A_69 {dimension_numbers = #tpu.dot_dimension_numbers<[1], [1], [0], [0], [0, 0, 1, 0], [], []>, transpose_lhs_hint = false} : vector<2048x256xbf16>, vector<1024x256xbf16>, vector<2048x1024xf32> -> vector<2048x1024xf32>
      %get3A_71 = arith.constant 0 : index
      %get3A_72 = arith.constant 0 : index
      %get3A_73 = vector.load %arg14[%get3A_71, %get3A_72] : memref<2048x2xf32, #tpu.memory_space<vmem>>, vector<2048x1xf32>
      %add3A = vector.broadcast %get3A_73 : vector<2048x1xf32> to vector<2048x1024xf32>
      %add3A_74 = arith.addf %dot_general3A_70, %add3A : vector<2048x1024xf32>
      %broadcast_in_dim3A = vector.shape_cast %lt3A_50 : vector<1x1024xi1> to vector<1x1024xi1>
      %broadcast_in_dim3A_75 = vector.broadcast %broadcast_in_dim3A : vector<1x1024xi1> to vector<2048x1024xi1>
      %select_n3A = arith.select %broadcast_in_dim3A_75, %dot_general3A_58, %add3A_74 : vector<2048x1024xi1>, vector<2048x1024xf32>
      %swap3A = arith.index_cast %rem3A_0 : i32 to index
      %swap3A_76 = arith.constant 0 : index
      %swap3A_77 = arith.constant 0 : index
      %swap3A_78 = vector.load %arg15[%swap3A, %swap3A_76, %swap3A_77] : memref<3x2048x1024xf32, #tpu.memory_space<vmem>>, vector<1x2048x1024xf32>
      %swap3A_79 = vector.shape_cast %swap3A_78 : vector<1x2048x1024xf32> to vector<2048x1024xf32>
      %swap3A_80 = vector.shape_cast %select_n3A : vector<2048x1024xf32> to vector<1x2048x1024xf32>
      tpu.vector_store %arg15[%swap3A, %swap3A_76, %swap3A_77], %swap3A_80 {strides = array<i32>} : memref<3x2048x1024xf32, #tpu.memory_space<vmem>>, vector<1x2048x1024xf32>,
    } else {
    }
    %gt3A = arith.constant 9 : i32
    %gt3A_18 = arith.cmpi sgt, %arg0, %gt3A : i32
    %lt3A_19 = arith.constant 29 : i32
    %lt3A_20 = arith.cmpi slt, %arg0, %lt3A_19 : i32
    %and3A_21 = arith.andi %gt3A_18, %lt3A_20 : i1
    %convert_element_type3A_22 = arith.extui %and3A_21 : i1 to i32
    %cond3A_23 = arith.constant 0 : i32
    %cond3A_24 = arith.cmpi ne, %convert_element_type3A_22, %cond3A_23 : i32
    scf.if %cond3A_24 {
      %get3A = arith.constant 240 : index
      %get3A_48 = arith.constant 0 : index
      %get3A_49 = vector.load %arg7[%get3A, %get3A_48] : memref<1024x256xf32, #tpu.memory_space<vmem>>, vector<784x256xf32>
      %get3A_50 = arith.constant 0 : index
      %get3A_51 = arith.constant 0 : index
      %get3A_52 = vector.load %arg8[%get3A_50, %get3A_51] : memref<1024x256xf32, #tpu.memory_space<vmem>>, vector<240x256xf32>
      %concatenate3A = tpu.concatenate %get3A_49, %get3A_52 in 0 : vector<784x256xf32>, vector<240x256xf32> -> vector<1024x256xf32>
      %convert_element_type3A_53 = arith.truncf %concatenate3A : vector<1024x256xf32> to vector<1024x256xbf16>
      %get3A_54 = arith.constant 0 : index
      %get3A_55 = arith.constant 0 : index
      %get3A_56 = vector.load %arg12[%get3A_54, %get3A_55] : memref<2048x256xbf16, #tpu.memory_space<vmem>>, vector<2048x256xbf16>
      %dot_general3A = arith.constant dense<0.000000e+00> : vector<2048x1024xf32>
      %dot_general3A_57 = tpu.matmul %get3A_56, %convert_element_type3A_53, %dot_general3A {dimension_numbers = #tpu.dot_dimension_numbers<[1], [1], [0], [0], [0, 0, 1, 0], [], []>, transpose_lhs_hint = false} : vector<2048x256xbf16>, vector<1024x256xbf16>, vector<2048x1024xf32> -> vector<2048x1024xf32>
      %get3A_58 = arith.constant 0 : index
      %get3A_59 = arith.constant 0 : index
      %get3A_60 = vector.load %arg14[%get3A_58, %get3A_59] : memref<2048x2xf32, #tpu.memory_space<vmem>>, vector<2048x1xf32>
      %add3A = vector.broadcast %get3A_60 : vector<2048x1xf32> to vector<2048x1024xf32>
      %add3A_61 = arith.addf %dot_general3A_57, %add3A : vector<2048x1024xf32>
      %swap3A = arith.index_cast %rem3A_0 : i32 to index
      %swap3A_62 = arith.constant 0 : index
      %swap3A_63 = arith.constant 0 : index
      %swap3A_64 = vector.load %arg15[%swap3A, %swap3A_62, %swap3A_63] : memref<3x2048x1024xf32, #tpu.memory_space<vmem>>, vector<1x2048x1024xf32>
      %swap3A_65 = vector.shape_cast %swap3A_64 : vector<1x2048x1024xf32> to vector<2048x1024xf32>
      %swap3A_66 = vector.shape_cast %add3A_61 : vector<2048x1024xf32> to vector<1x2048x1024xf32>
      tpu.vector_store %arg15[%swap3A, %swap3A_62, %swap3A_63], %swap3A_66 {strides = array<i32>} : memref<3x2048x1024xf32, #tpu.memory_space<vmem>>, vector<1x2048x1024xf32>,
    } else {
    }
    %eq3A_25 = arith.constant 29 : i32
    %eq3A_26 = arith.cmpi eq, %arg0, %eq3A_25 : i32
    %convert_element_type3A_27 = arith.extui %eq3A_26 : i1 to i32
    %cond3A_28 = arith.constant 0 : i32
    %cond3A_29 = arith.cmpi ne, %convert_element_type3A_27, %cond3A_28 : i32
    scf.if %cond3A_29 {
      %lt3A_48 = arith.constant 304 : i32
      %lt3A_49 = vector.broadcast %lt3A_48 : i32 to vector<1x1024xi32>
      %lt3A_50 = arith.cmpi slt, %iota3A, %lt3A_49 : vector<1x1024xi32>
      %get3A = arith.constant 240 : index
      %get3A_51 = arith.constant 0 : index
      %get3A_52 = vector.load %arg7[%get3A, %get3A_51] : memref<1024x256xf32, #tpu.memory_space<vmem>>, vector<784x256xf32>
      %get3A_53 = arith.constant 0 : index
      %get3A_54 = arith.constant 0 : index
      %get3A_55 = vector.load %arg8[%get3A_53, %get3A_54] : memref<1024x256xf32, #tpu.memory_space<vmem>>, vector<240x256xf32>
      %concatenate3A = tpu.concatenate %get3A_52, %get3A_55 in 0 : vector<784x256xf32>, vector<240x256xf32> -> vector<1024x256xf32>
      %convert_element_type3A_56 = arith.truncf %concatenate3A : vector<1024x256xf32> to vector<1024x256xbf16>
      %get3A_57 = arith.constant 0 : index
      %get3A_58 = arith.constant 0 : index
      %get3A_59 = vector.load %arg12[%get3A_57, %get3A_58] : memref<2048x256xbf16, #tpu.memory_space<vmem>>, vector<2048x256xbf16>
      %dot_general3A = arith.constant dense<0.000000e+00> : vector<2048x1024xf32>
      %dot_general3A_60 = tpu.matmul %get3A_59, %convert_element_type3A_56, %dot_general3A {dimension_numbers = #tpu.dot_dimension_numbers<[1], [1], [0], [0], [0, 0, 1, 0], [], []>, transpose_lhs_hint = false} : vector<2048x256xbf16>, vector<1024x256xbf16>, vector<2048x1024xf32> -> vector<2048x1024xf32>
      %get3A_61 = arith.constant 0 : index
      %get3A_62 = arith.constant 0 : index
      %get3A_63 = vector.load %arg14[%get3A_61, %get3A_62] : memref<2048x2xf32, #tpu.memory_space<vmem>>, vector<2048x1xf32>
      %add3A = vector.broadcast %get3A_63 : vector<2048x1xf32> to vector<2048x1024xf32>
      %add3A_64 = arith.addf %dot_general3A_60, %add3A : vector<2048x1024xf32>
      %get3A_65 = arith.constant 720 : index
      %get3A_66 = arith.constant 0 : index
      %get3A_67 = vector.load %arg9[%get3A_65, %get3A_66] : memref<1024x64xf32, #tpu.memory_space<vmem>>, vector<304x64xf32>
      %get3A_68 = arith.constant 0 : index
      %get3A_69 = arith.constant 0 : index
      %get3A_70 = vector.load %arg10[%get3A_68, %get3A_69] : memref<1024x64xf32, #tpu.memory_space<vmem>>, vector<720x64xf32>
      %concatenate3A_71 = tpu.concatenate %get3A_67, %get3A_70 in 0 : vector<304x64xf32>, vector<720x64xf32> -> vector<1024x64xf32>
      %convert_element_type3A_72 = arith.truncf %concatenate3A_71 : vector<1024x64xf32> to vector<1024x64xbf16>
      %get3A_73 = arith.constant 0 : index
      %get3A_74 = arith.constant 0 : index
      %get3A_75 = vector.load %arg13[%get3A_73, %get3A_74] : memref<2048x64xbf16, #tpu.memory_space<vmem>>, vector<2048x64xbf16>
      %dot_general3A_76 = arith.constant dense<0.000000e+00> : vector<2048x1024xf32>
      %dot_general3A_77 = tpu.matmul %get3A_75, %convert_element_type3A_72, %dot_general3A_76 {dimension_numbers = #tpu.dot_dimension_numbers<[1], [1], [0], [0], [0, 0, 1, 0], [], []>, transpose_lhs_hint = false} : vector<2048x64xbf16>, vector<1024x64xbf16>, vector<2048x1024xf32> -> vector<2048x1024xf32>
      %get3A_78 = arith.constant 0 : index
      %get3A_79 = arith.constant 1 : index
      %get3A_80 = vector.load %arg14[%get3A_78, %get3A_79] : memref<2048x2xf32, #tpu.memory_space<vmem>>, vector<2048x1xf32>
      %add3A_81 = vector.broadcast %get3A_80 : vector<2048x1xf32> to vector<2048x1024xf32>
      %add3A_82 = arith.addf %dot_general3A_77, %add3A_81 : vector<2048x1024xf32>
      %broadcast_in_dim3A = vector.shape_cast %lt3A_50 : vector<1x1024xi1> to vector<1x1024xi1>
      %broadcast_in_dim3A_83 = vector.broadcast %broadcast_in_dim3A : vector<1x1024xi1> to vector<2048x1024xi1>
      %select_n3A = arith.select %broadcast_in_dim3A_83, %add3A_64, %add3A_82 : vector<2048x1024xi1>, vector<2048x1024xf32>
      %swap3A = arith.index_cast %rem3A_0 : i32 to index
      %swap3A_84 = arith.constant 0 : index
      %swap3A_85 = arith.constant 0 : index
      %swap3A_86 = vector.load %arg15[%swap3A, %swap3A_84, %swap3A_85] : memref<3x2048x1024xf32, #tpu.memory_space<vmem>>, vector<1x2048x1024xf32>
      %swap3A_87 = vector.shape_cast %swap3A_86 : vector<1x2048x1024xf32> to vector<2048x1024xf32>
      %swap3A_88 = vector.shape_cast %select_n3A : vector<2048x1024xf32> to vector<1x2048x1024xf32>
      tpu.vector_store %arg15[%swap3A, %swap3A_84, %swap3A_85], %swap3A_88 {strides = array<i32>} : memref<3x2048x1024xf32, #tpu.memory_space<vmem>>, vector<1x2048x1024xf32>,
    } else {
    }
    %gt3A_30 = arith.constant 29 : i32
    %gt3A_31 = arith.cmpi sgt, %arg0, %gt3A_30 : i32
    %lt3A_32 = arith.constant 58 : i32
    %lt3A_33 = arith.cmpi slt, %arg0, %lt3A_32 : i32
    %and3A_34 = arith.andi %gt3A_31, %lt3A_33 : i1
    %convert_element_type3A_35 = arith.extui %and3A_34 : i1 to i32
    %cond3A_36 = arith.constant 0 : i32
    %cond3A_37 = arith.cmpi ne, %convert_element_type3A_35, %cond3A_36 : i32
    scf.if %cond3A_37 {
      %get3A = arith.constant 720 : index
      %get3A_48 = arith.constant 0 : index
      %get3A_49 = vector.load %arg9[%get3A, %get3A_48] : memref<1024x64xf32, #tpu.memory_space<vmem>>, vector<304x64xf32>
      %get3A_50 = arith.constant 0 : index
      %get3A_51 = arith.constant 0 : index
      %get3A_52 = vector.load %arg10[%get3A_50, %get3A_51] : memref<1024x64xf32, #tpu.memory_space<vmem>>, vector<720x64xf32>
      %concatenate3A = tpu.concatenate %get3A_49, %get3A_52 in 0 : vector<304x64xf32>, vector<720x64xf32> -> vector<1024x64xf32>
      %convert_element_type3A_53 = arith.truncf %concatenate3A : vector<1024x64xf32> to vector<1024x64xbf16>
      %get3A_54 = arith.constant 0 : index
      %get3A_55 = arith.constant 0 : index
      %get3A_56 = vector.load %arg13[%get3A_54, %get3A_55] : memref<2048x64xbf16, #tpu.memory_space<vmem>>, vector<2048x64xbf16>
      %dot_general3A = arith.constant dense<0.000000e+00> : vector<2048x1024xf32>
      %dot_general3A_57 = tpu.matmul %get3A_56, %convert_element_type3A_53, %dot_general3A {dimension_numbers = #tpu.dot_dimension_numbers<[1], [1], [0], [0], [0, 0, 1, 0], [], []>, transpose_lhs_hint = false} : vector<2048x64xbf16>, vector<1024x64xbf16>, vector<2048x1024xf32> -> vector<2048x1024xf32>
      %get3A_58 = arith.constant 0 : index
      %get3A_59 = arith.constant 1 : index
      %get3A_60 = vector.load %arg14[%get3A_58, %get3A_59] : memref<2048x2xf32, #tpu.memory_space<vmem>>, vector<2048x1xf32>
      %add3A = vector.broadcast %get3A_60 : vector<2048x1xf32> to vector<2048x1024xf32>
      %add3A_61 = arith.addf %dot_general3A_57, %add3A : vector<2048x1024xf32>
      %swap3A = arith.index_cast %rem3A_0 : i32 to index
      %swap3A_62 = arith.constant 0 : index
      %swap3A_63 = arith.constant 0 : index
      %swap3A_64 = vector.load %arg15[%swap3A, %swap3A_62, %swap3A_63] : memref<3x2048x1024xf32, #tpu.memory_space<vmem>>, vector<1x2048x1024xf32>
      %swap3A_65 = vector.shape_cast %swap3A_64 : vector<1x2048x1024xf32> to vector<2048x1024xf32>
      %swap3A_66 = vector.shape_cast %add3A_61 : vector<2048x1024xf32> to vector<1x2048x1024xf32>
      tpu.vector_store %arg15[%swap3A, %swap3A_62, %swap3A_63], %swap3A_66 {strides = array<i32>} : memref<3x2048x1024xf32, #tpu.memory_space<vmem>>, vector<1x2048x1024xf32>,
    } else {
    }
    %lt3A_38 = arith.constant 58 : i32
    %lt3A_39 = arith.cmpi slt, %arg0, %lt3A_38 : i32
    %convert_element_type3A_40 = arith.extui %lt3A_39 : i1 to i32
    %cond3A_41 = arith.constant 0 : i32
    %cond3A_42 = arith.cmpi ne, %convert_element_type3A_40, %cond3A_41 : i32
    scf.if %cond3A_42 {
      %mul3A = arith.constant 1024 : i32
      %mul3A_48 = arith.muli %arg0, %mul3A : i32
      %dma_start3A = tpu.memref_slice %arg17[%rem3A_0] : memref<3x!tpu.dma_semaphore, #tpu.memory_space<semaphore_mem>> -> memref<1x!tpu.dma_semaphore, #tpu.memory_space<semaphore_mem>>
      %dma_start3A_49 = tpu.memref_squeeze %dma_start3A : memref<1x!tpu.dma_semaphore, #tpu.memory_space<semaphore_mem>> -> memref<!tpu.dma_semaphore, #tpu.memory_space<semaphore_mem>>
      %dma_start3A_50 = arith.constant 0 : i32
      %dma_start3A_51 = tpu.memref_slice %arg11[%dma_start3A_50, %mul3A_48] : memref<2048x60000xf32, #tpu.memory_space<any>> -> memref<1024x1024xf32, #tpu.memory_space<any>>
      %dma_start3A_52 = arith.constant 0 : i32
      %dma_start3A_53 = arith.constant 0 : i32
      %dma_start3A_54 = tpu.memref_slice %arg15[%rem3A_0, %dma_start3A_52, %dma_start3A_53] : memref<3x2048x1024xf32, #tpu.memory_space<vmem>> -> memref<1x1024x1024xf32, #tpu.memory_space<vmem>>
      %dma_start3A_55 = tpu.memref_squeeze %dma_start3A_54 : memref<1x1024x1024xf32, #tpu.memory_space<vmem>> -> memref<1024x1024xf32, #tpu.memory_space<vmem>>
      tpu.enqueue_dma source(%dma_start3A_55 : memref<1024x1024xf32, #tpu.memory_space<vmem>>) target(%dma_start3A_51 : memref<1024x1024xf32, #tpu.memory_space<any>>) target_semaphore(%dma_start3A_49 : memref<!tpu.dma_semaphore, #tpu.memory_space<semaphore_mem>>)
      %mul3A_56 = arith.constant 1024 : i32
      %mul3A_57 = arith.muli %arg0, %mul3A_56 : i32
      %dma_start3A_58 = tpu.memref_slice %arg18[%rem3A_0] : memref<3x!tpu.dma_semaphore, #tpu.memory_space<semaphore_mem>> -> memref<1x!tpu.dma_semaphore, #tpu.memory_space<semaphore_mem>>
      %dma_start3A_59 = tpu.memref_squeeze %dma_start3A_58 : memref<1x!tpu.dma_semaphore, #tpu.memory_space<semaphore_mem>> -> memref<!tpu.dma_semaphore, #tpu.memory_space<semaphore_mem>>
      %dma_start3A_60 = arith.constant 1024 : i32
      %dma_start3A_61 = tpu.memref_slice %arg11[%dma_start3A_60, %mul3A_57] : memref<2048x60000xf32, #tpu.memory_space<any>> -> memref<1024x1024xf32, #tpu.memory_space<any>>
      %dma_start3A_62 = arith.constant 1024 : i32
      %dma_start3A_63 = arith.constant 0 : i32
      %dma_start3A_64 = tpu.memref_slice %arg15[%rem3A_0, %dma_start3A_62, %dma_start3A_63] : memref<3x2048x1024xf32, #tpu.memory_space<vmem>> -> memref<1x1024x1024xf32, #tpu.memory_space<vmem>>
      %dma_start3A_65 = tpu.memref_squeeze %dma_start3A_64 : memref<1x1024x1024xf32, #tpu.memory_space<vmem>> -> memref<1024x1024xf32, #tpu.memory_space<vmem>>
      tpu.enqueue_dma source(%dma_start3A_65 : memref<1024x1024xf32, #tpu.memory_space<vmem>>) target(%dma_start3A_61 : memref<1024x1024xf32, #tpu.memory_space<any>>) target_semaphore(%dma_start3A_59 : memref<!tpu.dma_semaphore, #tpu.memory_space<semaphore_mem>>)
    } else {
    }
    %eq3A_43 = arith.constant 58 : i32
    %eq3A_44 = arith.cmpi eq, %arg0, %eq3A_43 : i32
    %convert_element_type3A_45 = arith.extui %eq3A_44 : i1 to i32
    %cond3A_46 = arith.constant 0 : i32
    %cond3A_47 = arith.cmpi ne, %convert_element_type3A_45, %cond3A_46 : i32
    scf.if %cond3A_47 {
      %get3A = arith.constant 720 : index
      %get3A_48 = arith.constant 0 : index
      %get3A_49 = vector.load %arg9[%get3A, %get3A_48] : memref<1024x64xf32, #tpu.memory_space<vmem>>, vector<304x64xf32>
      %get3A_50 = arith.constant 0 : index
      %get3A_51 = arith.constant 0 : index
      %get3A_52 = vector.load %arg10[%get3A_50, %get3A_51] : memref<1024x64xf32, #tpu.memory_space<vmem>>, vector<720x64xf32>
      %concatenate3A = tpu.concatenate %get3A_49, %get3A_52 in 0 : vector<304x64xf32>, vector<720x64xf32> -> vector<1024x64xf32>
      %convert_element_type3A_53 = arith.truncf %concatenate3A : vector<1024x64xf32> to vector<1024x64xbf16>
      %get3A_54 = arith.constant 0 : index
      %get3A_55 = arith.constant 0 : index
      %get3A_56 = vector.load %arg13[%get3A_54, %get3A_55] : memref<2048x64xbf16, #tpu.memory_space<vmem>>, vector<2048x64xbf16>
      %dot_general3A = arith.constant dense<0.000000e+00> : vector<2048x1024xf32>
      %dot_general3A_57 = tpu.matmul %get3A_56, %convert_element_type3A_53, %dot_general3A {dimension_numbers = #tpu.dot_dimension_numbers<[1], [1], [0], [0], [0, 0, 1, 0], [], []>, transpose_lhs_hint = false} : vector<2048x64xbf16>, vector<1024x64xbf16>, vector<2048x1024xf32> -> vector<2048x1024xf32>
      %get3A_58 = arith.constant 0 : index
      %get3A_59 = arith.constant 1 : index
      %get3A_60 = vector.load %arg14[%get3A_58, %get3A_59] : memref<2048x2xf32, #tpu.memory_space<vmem>>, vector<2048x1xf32>
      %add3A = vector.broadcast %get3A_60 : vector<2048x1xf32> to vector<2048x1024xf32>
      %add3A_61 = arith.addf %dot_general3A_57, %add3A : vector<2048x1024xf32>
      %slice3A = vector.extract_strided_slice %add3A_61 {offsets = [0, 0], sizes = [2048, 608], strides = [1, 1]} : vector<2048x1024xf32> to vector<2048x608xf32>
      %swap3A = arith.constant 0 : index
      %swap3A_62 = arith.constant 0 : index
      %swap3A_63 = vector.load %arg16[%swap3A, %swap3A_62] : memref<2048x608xf32, #tpu.memory_space<vmem>>, vector<2048x608xf32>
      tpu.vector_store %arg16[%swap3A, %swap3A_62], %slice3A {strides = array<i32>} : memref<2048x608xf32, #tpu.memory_space<vmem>>, vector<2048x608xf32>,
      %dma_start3A = arith.constant 0 : i32
      %dma_start3A_64 = arith.constant 59392 : i32
      %dma_start3A_65 = tpu.memref_slice %arg11[%dma_start3A, %dma_start3A_64] : memref<2048x60000xf32, #tpu.memory_space<any>> -> memref<2048x608xf32, #tpu.memory_space<any>>
      tpu.enqueue_dma source(%arg16 : memref<2048x608xf32, #tpu.memory_space<vmem>>) target(%dma_start3A_65 : memref<2048x608xf32, #tpu.memory_space<any>>) target_semaphore(%arg19 : memref<!tpu.dma_semaphore, #tpu.memory_space<semaphore_mem>>)
      %dma_wait3A = arith.constant 0 : i32
      %dma_wait3A_66 = arith.constant 0 : i32
      %dma_wait3A_67 = tpu.memref_slice %arg17[%dma_wait3A_66] : memref<3x!tpu.dma_semaphore, #tpu.memory_space<semaphore_mem>> -> memref<1x!tpu.dma_semaphore, #tpu.memory_space<semaphore_mem>>
      %dma_wait3A_68 = tpu.memref_squeeze %dma_wait3A_67 : memref<1x!tpu.dma_semaphore, #tpu.memory_space<semaphore_mem>> -> memref<!tpu.dma_semaphore, #tpu.memory_space<semaphore_mem>>
      %dma_wait3A_69 = arith.constant 0 : i32
      %dma_wait3A_70 = arith.constant 58368 : i32
      %dma_wait3A_71 = tpu.memref_slice %arg11[%dma_wait3A_69, %dma_wait3A_70] : memref<2048x60000xf32, #tpu.memory_space<any>> -> memref<1024x1024xf32, #tpu.memory_space<any>>
      %dma_wait3A_72 = arith.constant 0 : i32
      %dma_wait3A_73 = arith.constant 0 : i32
      %dma_wait3A_74 = tpu.memref_slice %arg15[%dma_wait3A, %dma_wait3A_72, %dma_wait3A_73] : memref<3x2048x1024xf32, #tpu.memory_space<vmem>> -> memref<1x1024x1024xf32, #tpu.memory_space<vmem>>
      %dma_wait3A_75 = tpu.memref_squeeze %dma_wait3A_74 : memref<1x1024x1024xf32, #tpu.memory_space<vmem>> -> memref<1024x1024xf32, #tpu.memory_space<vmem>>
      tpu.wait_dma2 semaphore(%dma_wait3A_68 : memref<!tpu.dma_semaphore, #tpu.memory_space<semaphore_mem>>) src(%dma_wait3A_75 : memref<1024x1024xf32, #tpu.memory_space<vmem>>) dst(%dma_wait3A_71 : memref<1024x1024xf32, #tpu.memory_space<any>>)
      %dma_wait3A_76 = arith.constant 0 : i32
      %dma_wait3A_77 = arith.constant 0 : i32
      %dma_wait3A_78 = tpu.memref_slice %arg18[%dma_wait3A_77] : memref<3x!tpu.dma_semaphore, #tpu.memory_space<semaphore_mem>> -> memref<1x!tpu.dma_semaphore, #tpu.memory_space<semaphore_mem>>
      %dma_wait3A_79 = tpu.memref_squeeze %dma_wait3A_78 : memref<1x!tpu.dma_semaphore, #tpu.memory_space<semaphore_mem>> -> memref<!tpu.dma_semaphore, #tpu.memory_space<semaphore_mem>>
      %dma_wait3A_80 = arith.constant 1024 : i32
      %dma_wait3A_81 = arith.constant 58368 : i32
      %dma_wait3A_82 = tpu.memref_slice %arg11[%dma_wait3A_80, %dma_wait3A_81] : memref<2048x60000xf32, #tpu.memory_space<any>> -> memref<1024x1024xf32, #tpu.memory_space<any>>
      %dma_wait3A_83 = arith.constant 1024 : i32
      %dma_wait3A_84 = arith.constant 0 : i32
      %dma_wait3A_85 = tpu.memref_slice %arg15[%dma_wait3A_76, %dma_wait3A_83, %dma_wait3A_84] : memref<3x2048x1024xf32, #tpu.memory_space<vmem>> -> memref<1x1024x1024xf32, #tpu.memory_space<vmem>>
      %dma_wait3A_86 = tpu.memref_squeeze %dma_wait3A_85 : memref<1x1024x1024xf32, #tpu.memory_space<vmem>> -> memref<1024x1024xf32, #tpu.memory_space<vmem>>
      tpu.wait_dma2 semaphore(%dma_wait3A_79 : memref<!tpu.dma_semaphore, #tpu.memory_space<semaphore_mem>>) src(%dma_wait3A_86 : memref<1024x1024xf32, #tpu.memory_space<vmem>>) dst(%dma_wait3A_82 : memref<1024x1024xf32, #tpu.memory_space<any>>)
      %dma_wait3A_87 = arith.constant 2 : i32
      %dma_wait3A_88 = arith.constant 2 : i32
      %dma_wait3A_89 = tpu.memref_slice %arg17[%dma_wait3A_88] : memref<3x!tpu.dma_semaphore, #tpu.memory_space<semaphore_mem>> -> memref<1x!tpu.dma_semaphore, #tpu.memory_space<semaphore_mem>>
      %dma_wait3A_90 = tpu.memref_squeeze %dma_wait3A_89 : memref<1x!tpu.dma_semaphore, #tpu.memory_space<semaphore_mem>> -> memref<!tpu.dma_semaphore, #tpu.memory_space<semaphore_mem>>
      %dma_wait3A_91 = arith.constant 0 : i32
      %dma_wait3A_92 = arith.constant 57344 : i32
      %dma_wait3A_93 = tpu.memref_slice %arg11[%dma_wait3A_91, %dma_wait3A_92] : memref<2048x60000xf32, #tpu.memory_space<any>> -> memref<1024x1024xf32, #tpu.memory_space<any>>
      %dma_wait3A_94 = arith.constant 0 : i32
      %dma_wait3A_95 = arith.constant 0 : i32
      %dma_wait3A_96 = tpu.memref_slice %arg15[%dma_wait3A_87, %dma_wait3A_94, %dma_wait3A_95] : memref<3x2048x1024xf32, #tpu.memory_space<vmem>> -> memref<1x1024x1024xf32, #tpu.memory_space<vmem>>
      %dma_wait3A_97 = tpu.memref_squeeze %dma_wait3A_96 : memref<1x1024x1024xf32, #tpu.memory_space<vmem>> -> memref<1024x1024xf32, #tpu.memory_space<vmem>>
      tpu.wait_dma2 semaphore(%dma_wait3A_90 : memref<!tpu.dma_semaphore, #tpu.memory_space<semaphore_mem>>) src(%dma_wait3A_97 : memref<1024x1024xf32, #tpu.memory_space<vmem>>) dst(%dma_wait3A_93 : memref<1024x1024xf32, #tpu.memory_space<any>>)
      %dma_wait3A_98 = arith.constant 2 : i32
      %dma_wait3A_99 = arith.constant 2 : i32
      %dma_wait3A_100 = tpu.memref_slice %arg18[%dma_wait3A_99] : memref<3x!tpu.dma_semaphore, #tpu.memory_space<semaphore_mem>> -> memref<1x!tpu.dma_semaphore, #tpu.memory_space<semaphore_mem>>
      %dma_wait3A_101 = tpu.memref_squeeze %dma_wait3A_100 : memref<1x!tpu.dma_semaphore, #tpu.memory_space<semaphore_mem>> -> memref<!tpu.dma_semaphore, #tpu.memory_space<semaphore_mem>>
      %dma_wait3A_102 = arith.constant 1024 : i32
      %dma_wait3A_103 = arith.constant 57344 : i32
      %dma_wait3A_104 = tpu.memref_slice %arg11[%dma_wait3A_102, %dma_wait3A_103] : memref<2048x60000xf32, #tpu.memory_space<any>> -> memref<1024x1024xf32, #tpu.memory_space<any>>
      %dma_wait3A_105 = arith.constant 1024 : i32
      %dma_wait3A_106 = arith.constant 0 : i32
      %dma_wait3A_107 = tpu.memref_slice %arg15[%dma_wait3A_98, %dma_wait3A_105, %dma_wait3A_106] : memref<3x2048x1024xf32, #tpu.memory_space<vmem>> -> memref<1x1024x1024xf32, #tpu.memory_space<vmem>>
      %dma_wait3A_108 = tpu.memref_squeeze %dma_wait3A_107 : memref<1x1024x1024xf32, #tpu.memory_space<vmem>> -> memref<1024x1024xf32, #tpu.memory_space<vmem>>
      tpu.wait_dma2 semaphore(%dma_wait3A_101 : memref<!tpu.dma_semaphore, #tpu.memory_space<semaphore_mem>>) src(%dma_wait3A_108 : memref<1024x1024xf32, #tpu.memory_space<vmem>>) dst(%dma_wait3A_104 : memref<1024x1024xf32, #tpu.memory_space<any>>)
      %dma_wait3A_109 = arith.constant 1 : i32
      %dma_wait3A_110 = arith.constant 1 : i32
      %dma_wait3A_111 = tpu.memref_slice %arg17[%dma_wait3A_110] : memref<3x!tpu.dma_semaphore, #tpu.memory_space<semaphore_mem>> -> memref<1x!tpu.dma_semaphore, #tpu.memory_space<semaphore_mem>>
      %dma_wait3A_112 = tpu.memref_squeeze %dma_wait3A_111 : memref<1x!tpu.dma_semaphore, #tpu.memory_space<semaphore_mem>> -> memref<!tpu.dma_semaphore, #tpu.memory_space<semaphore_mem>>
      %dma_wait3A_113 = arith.constant 0 : i32
      %dma_wait3A_114 = arith.constant 56320 : i32
      %dma_wait3A_115 = tpu.memref_slice %arg11[%dma_wait3A_113, %dma_wait3A_114] : memref<2048x60000xf32, #tpu.memory_space<any>> -> memref<1024x1024xf32, #tpu.memory_space<any>>
      %dma_wait3A_116 = arith.constant 0 : i32
      %dma_wait3A_117 = arith.constant 0 : i32
      %dma_wait3A_118 = tpu.memref_slice %arg15[%dma_wait3A_109, %dma_wait3A_116, %dma_wait3A_117] : memref<3x2048x1024xf32, #tpu.memory_space<vmem>> -> memref<1x1024x1024xf32, #tpu.memory_space<vmem>>
      %dma_wait3A_119 = tpu.memref_squeeze %dma_wait3A_118 : memref<1x1024x1024xf32, #tpu.memory_space<vmem>> -> memref<1024x1024xf32, #tpu.memory_space<vmem>>
      tpu.wait_dma2 semaphore(%dma_wait3A_112 : memref<!tpu.dma_semaphore, #tpu.memory_space<semaphore_mem>>) src(%dma_wait3A_119 : memref<1024x1024xf32, #tpu.memory_space<vmem>>) dst(%dma_wait3A_115 : memref<1024x1024xf32, #tpu.memory_space<any>>)
      %dma_wait3A_120 = arith.constant 1 : i32
      %dma_wait3A_121 = arith.constant 1 : i32
      %dma_wait3A_122 = tpu.memref_slice %arg18[%dma_wait3A_121] : memref<3x!tpu.dma_semaphore, #tpu.memory_space<semaphore_mem>> -> memref<1x!tpu.dma_semaphore, #tpu.memory_space<semaphore_mem>>
      %dma_wait3A_123 = tpu.memref_squeeze %dma_wait3A_122 : memref<1x!tpu.dma_semaphore, #tpu.memory_space<semaphore_mem>> -> memref<!tpu.dma_semaphore, #tpu.memory_space<semaphore_mem>>
      %dma_wait3A_124 = arith.constant 1024 : i32
      %dma_wait3A_125 = arith.constant 56320 : i32
      %dma_wait3A_126 = tpu.memref_slice %arg11[%dma_wait3A_124, %dma_wait3A_125] : memref<2048x60000xf32, #tpu.memory_space<any>> -> memref<1024x1024xf32, #tpu.memory_space<any>>
      %dma_wait3A_127 = arith.constant 1024 : i32
      %dma_wait3A_128 = arith.constant 0 : i32
      %dma_wait3A_129 = tpu.memref_slice %arg15[%dma_wait3A_120, %dma_wait3A_127, %dma_wait3A_128] : memref<3x2048x1024xf32, #tpu.memory_space<vmem>> -> memref<1x1024x1024xf32, #tpu.memory_space<vmem>>
      %dma_wait3A_130 = tpu.memref_squeeze %dma_wait3A_129 : memref<1x1024x1024xf32, #tpu.memory_space<vmem>> -> memref<1024x1024xf32, #tpu.memory_space<vmem>>
      tpu.wait_dma2 semaphore(%dma_wait3A_123 : memref<!tpu.dma_semaphore, #tpu.memory_space<semaphore_mem>>) src(%dma_wait3A_130 : memref<1024x1024xf32, #tpu.memory_space<vmem>>) dst(%dma_wait3A_126 : memref<1024x1024xf32, #tpu.memory_space<any>>)
      %dma_wait3A_131 = arith.constant 0 : i32
      %dma_wait3A_132 = arith.constant 59392 : i32
      %dma_wait3A_133 = tpu.memref_slice %arg11[%dma_wait3A_131, %dma_wait3A_132] : memref<2048x60000xf32, #tpu.memory_space<any>> -> memref<2048x608xf32, #tpu.memory_space<any>>
      tpu.wait_dma2 semaphore(%arg19 : memref<!tpu.dma_semaphore, #tpu.memory_space<semaphore_mem>>) src(%arg16 : memref<2048x608xf32, #tpu.memory_space<vmem>>) dst(%dma_wait3A_133 : memref<2048x608xf32, #tpu.memory_space<any>>)
    } else {
    }
    return
  }
  func.func @transform_0(%arg0: i32) -> (i32, i32) {
    %c0_i32 = arith.constant 0 : i32
    %c0_i32_0 = arith.constant 0 : i32
    %c0_i32_1 = arith.constant 0 : i32
    return %c0_i32, %c0_i32_0 : i32, i32
  }
  func.func @transform_1(%arg0: i32) -> (i32, i32) {
    %c0_i32 = arith.constant 0 : i32
    %c0_i32_0 = arith.constant 0 : i32
    %c0_i32_1 = arith.constant 0 : i32
    return %c0_i32, %c0_i32_0 : i32, i32
  }
  func.func @transform_2(%arg0: i32) -> (i32, i32) {
    %c0_i32 = arith.constant 0 : i32
    %c0_i32_0 = arith.constant 0 : i32
    %c0_i32_1 = arith.constant 0 : i32
    return %c0_i32, %c0_i32_0 : i32, i32
  }
  func.func @transform_3(%arg0: i32) -> (i32, i32) {
    %c0_i32 = arith.constant 0 : i32
    %c0_i32_0 = arith.constant 0 : i32
    %c0_i32_1 = arith.constant 0 : i32
    return %c0_i32, %c0_i32_0 : i32, i32
  }
  func.func @transform_4(%arg0: i32) -> (i32, i32) {
    %c0_i32 = arith.constant 0 : i32
    %c0_i32_0 = arith.constant 0 : i32
    %c0_i32_1 = arith.constant 0 : i32
    return %c0_i32, %c0_i32_0 : i32, i32
  }
  func.func @transform_5(%arg0: i32) -> (i32, i32) {
    %min3A = arith.constant 9 : i32
    %min3A_0 = arith.minsi %arg0, %min3A : i32
    %c0_i32 = arith.constant 0 : i32
    %c0_i32_1 = arith.constant 0 : i32
    return %min3A_0, %c0_i32 : i32, i32
  }
  func.func @transform_6(%arg0: i32) -> (i32, i32) {
    %sub3A = arith.constant 9 : i32
    %sub3A_0 = arith.subi %arg0, %sub3A : i32
    %sub3A_1 = arith.constant 1 : i32
    %sub3A_2 = arith.subi %sub3A_0, %sub3A_1 : i32
    %jit3A = arith.constant 0 : i32
    %jit3A_3 = arith.constant 19 : i32
    %max3A = arith.maxsi %jit3A, %sub3A_2 : i32
    %min3A = arith.minsi %jit3A_3, %max3A : i32
    %c0_i32 = arith.constant 0 : i32
    %c0_i32_4 = arith.constant 0 : i32
    return %min3A, %c0_i32 : i32, i32
  }
  func.func @transform_7(%arg0: i32) -> (i32, i32) {
    %sub3A = arith.constant 9 : i32
    %sub3A_0 = arith.subi %arg0, %sub3A : i32
    %jit3A = arith.constant 0 : i32
    %jit3A_1 = arith.constant 19 : i32
    %max3A = arith.maxsi %jit3A, %sub3A_0 : i32
    %min3A = arith.minsi %jit3A_1, %max3A : i32
    %c0_i32 = arith.constant 0 : i32
    %c0_i32_2 = arith.constant 0 : i32
    return %min3A, %c0_i32 : i32, i32
  }
  func.func @transform_8(%arg0: i32) -> (i32, i32) {
    %sub3A = arith.constant 29 : i32
    %sub3A_0 = arith.subi %arg0, %sub3A : i32
    %sub3A_1 = arith.constant 1 : i32
    %sub3A_2 = arith.subi %sub3A_0, %sub3A_1 : i32
    %jit3A = arith.constant 0 : i32
    %jit3A_3 = arith.constant 29 : i32
    %max3A = arith.maxsi %jit3A, %sub3A_2 : i32
    %min3A = arith.minsi %jit3A_3, %max3A : i32
    %c0_i32 = arith.constant 0 : i32
    %c0_i32_4 = arith.constant 0 : i32
    return %min3A, %c0_i32 : i32, i32
  }
  func.func @transform_9(%arg0: i32) -> (i32, i32) {
    %sub3A = arith.constant 29 : i32
    %sub3A_0 = arith.subi %arg0, %sub3A : i32
    %jit3A = arith.constant 0 : i32
    %jit3A_1 = arith.constant 29 : i32
    %max3A = arith.maxsi %jit3A, %sub3A_0 : i32
    %min3A = arith.minsi %jit3A_1, %max3A : i32
    %c0_i32 = arith.constant 0 : i32
    %c0_i32_2 = arith.constant 0 : i32
    return %min3A, %c0_i32 : i32, i32
  }
}

</mosaic_0001>

<sc_bundles>
// kernel: sparse-core-data-format-call.cloned.1.call-start
scs
called_computation_lowered:
.L_overlay_start_0:
0x0: {  	s2 =	sld [smem:$0x3FD9]  }
0x1: {  	s3 =	sld [smem:$0x3FFE];
	_ =	sdelay $0x1  }
0x2: {  	s1 =	srdreg.scid  }
0x3: {  	s0 =	sand.u32 $0x1, s1  }
0x4: {  	s18 =	sshll.u32 s0, $0xA;
	s2 =	sadd.s32 s3, s2  }
0x5: {  	s2 =	sadd.s32 s2, s18  }
0x6: {  	[smem:$0x3FC0] =	sst s2  }
0x7: {  	_ = 	snop  }
0x8: {  	s2 =	sld [smem:$0x3FD0];
	(tm) =	ssettm $0x1  }
0x9: {  	s19 =	sld [smem:$0x3FFB];
	_ =	sdelay $0x3  }
0xa: {  	_ =	strace s19  }
0xb: {  	s3 =	sld [smem:$0x3FFC];
	_ =	sdelay $0x3  }
0xc: {  	_ =	strace s3  }
0xd: {  	s3 =	sld [smem:$0x3FFD];
	_ =	sdelay $0x3  }
0xe: {  	_ =	strace s3  }
0xf: {  	_ =	strace $0x8FFFFFFF  }
0x10: {  	s20 =	sld [smem:$0x3FDB];
	_ =	sdelay $0x1  }
0x11: {  	s4 =	simm.s32 $_scs_section_size  }
0x12: {  	s5 =	simm.s32 $_size__tile_overlayer_lowered;
	s6 =	simm.s32 $_tile_overlayer_lowered  }
0x13: {  	s23 =	simm.s32 $0x1BFF;
	s22 =	sshll.u32 s6, $0x1;
	s3 =	sadd.s32 s4, s20  }
0x14: {  	s7 =	simm.s32 $0x0;
	s21 =	sshll.u32 s5, $0x1;
	s5 =	sadd.s32 s22, s3  }
0x15: {  	[timem:s7], [sflag:s23] =	dma.local [hbm:s5], s21  }
0x16: {  	_ =	swait.ge [sflag:s23], s21  }
0x17: {  	s4 =	ssub.s32 $0x0, s21;
	[sflag:s23] =	ssyncset.done $0x0  }
0x18: {  	[sflag:s23] =	ssyncadd.s32 s4;
	_ =	sdelay $0x1  }
0x19: {  	s24 =	simm.s32 $0x1B8B  }
0x1a: {  	_ =	swait.ge [sflag:s24], $0x1  }
0x1b: {  	[sflag:s24] =	ssyncset.done $0x0  }
0x1c: {  	s26 =	simm.s32 $0x1B8E;
	s25 =	sld [smem:$0x3FFE];
	[sflag:s24] =	ssyncadd.s32 $0xFFFFFFFF  }
0x1d: {  	s27 =	simm.s32 $execute0_lowered;
	[smem:$0x3FD2] =	sst s26  }
0x1e: {  	s5 =	sshll.u32 s27, $0x1;
	_ =	strace $0x80000046;
	[dreg:$0x1] =	wrdreg $0xFFFFFFFF  }
0x1f: {  	s28 =	simm.s32 $_size_execute0_lowered;
	s3 =	sadd.s32 s3, s5;
	[dreg:$0x0] =	wrdreg $0x0  }
0x20: {  	s5 =	sshll.u32 s28, $0x1;
	[dreg:$0x2] =	wrdreg s3  }
0x21: {  	[dreg:$0x3] =	wrdreg s5  }
0x22: {  	[dreg:$0x4] =	wrdreg $0xC0  }
0x23: {  	_ =	task [dreg:s7], $0x5FFFF  }
0x24: {  	[dreg:$0x1] =	wrdreg $0xFFFFFFFF  }
0x25: {  	[dreg:$0x0] =	wrdreg $0x60  }
0x26: {  	[dreg:$0x2] =	wrdreg s25  }
0x27: {  	[dreg:$0x3] =	wrdreg s2  }
0x28: {  	[dreg:$0x4] =	wrdreg $0x9  }
0x29: {  	_ =	task.clear_ibuf [dreg:s7], $0x5FFFF;
	_ =	strace $0x90000046  }
0x2a: {  	s29 =	simm.s32 $0x9;
	_ =	strace $0x80000048  }
0x2b: {  	_ =	swait.ge [sflag:s29], $0x1  }
0x2c: {  	[sflag:s29] =	ssyncadd.s32 $0xFFFFFFFF  }
0x2d: {  	_ =	strace $0x90000048  }
0x2e: {  	_ =	sfence  }
0x2f: {  	s30 =	sld [smem:$0x0];
	_ =	sdelay $0x2  }
0x30: {  	s31 =	sshll.u32 s1, $0xD;
	s1 =	sshrl.u32 s1, $0x2  }
0x31: {  	s3 =	sand.u32 $0x4000, s31;
	s1 =	sadd.s32 s1, s30  }
0x32: {  	s0 =	sor.u32 s3, s0;
	s1 =	sshll.u32 s1, $0x11  }
0x33: {  	s0 =	sor.u32 s1, s0  }
0x34: {  	s0 =	sadd.s32 $0x8F2B, s0  }
0x35: {  	[sflag:s0] =	ssyncadd.remote.s32 $0x1  }
0x36: {  	_ =	sfence.sel $0xFFFF  }
0x37: {  	[dreg:$0x0] =	wrdreg $0xFFFFFFFF;
	(pc) =	sbr.abs _section_cstart, $3  }
0x38: {  	[dreg:$0x1] =	wrdreg $0xFFFFFFFF  }
0x39: {  	_ =	task.clear_ibuf [dreg:s7], $0x2FFFF;
	_ =	strace $0x9FFFFFFF  }
0x3a: {  	(tm) =	ssettm $0x7FFFFFFF  }
0x3b: {  	_ =	shalt  }
tec
execute0_lowered:
.L_overlay_start_1:
0x0: {  	(tag) =	ssettag $0x1  }
0x1: {  	s0 =	stileid.u32  }
0x2: {  	s2 =	srdreg.scid;
	s7 =	rddreg [dreg:$0x0]  }
0x3: {  	s3 =	rddreg [dreg:$0x1];
	s6 =	simm.s32 $0x1;
	s31 =	simm.s32 $0x2  }
0x4: {  	s16 =	simm.s32 $0x0;
	s9 =	simm.s32 $0x4000;
	s15 =	simm.s32 $0x0  }
0x5: {  	s10 =	simm.s32 $0x0;
	s11 =	simm.s32 $0x0;
	s1 =	sshll.u32 s0, $0x7  }
0x6: {  	s14 =	simm.s32 $0x0;
	s2 =	sshll.u32 s2, $0x7;
	s5 =	ssub.s32 $0x800, s1  }
0x7: {  	s7 =	sadd.s32 $0x4400, s7;
	s4 =	sand.u32 $0x80, s2;
	s29 =	sand.u32 $0x780, s5  }
0x8: {  	s30 =	ssub.s32 $0xEA00, s4;
	s5 =	sshrl.u32 s5, $0xB;
	p0 =	sne.s32 s29, $0x0  }
.Ltmp0:
0x9: {  	s8 =	sshrl.u32 s30, $0x8;
	s6 =	simm.s32 @!p0 $0x0;
	(pc) =	sbr.rel .LBB1_1-.Ltmp0, $4  }
0xa: {  	s2 =	rddreg [dreg:$0x2];
	s8 =	sadd.s32 $0x1, s8;
	s6 =	sadd.s32 s6, s5  }
0xb: {  	_ =	strace $0x80000047;
	s5 =	simm.s32 $0x1;
	s6 =	smul.u32 s8, s6  }
0xc: {  	s13 =	smov.u32 s1;
	s12 =	smov.u32 s4;
	[sflag:s5] =	ssyncpa.u1 $0x0  }
0xd: {  	p0 =	por $0x0, $0x0;
	[sflag:s31] =	ssyncpa.u1 $0x0;
	s8 =	sadd.s32 $0x1, s6  }
.LBB1_4:
0xe: {  	s21 =	sshra.s32 s21, $0x2;
	s26 =	sshll.u32 s10, $0xB  }
0xf: {  	s22 =	sand.u32 $0x78, s11;
	s23 =	sshll.u32 s11, $0x3;
	s25 =	sshll.u32 s10, $0x7  }
0x10: {  	p1 =	sgt.s32 s10, $0xE9E0;
	s29 =	sshra.s32 s10, $0x1F;
	s20 =	sadd.s32 s21, s20  }
0x11: {  	s21 =	sand.u32 $0xFFFFC000, s26;
	s24 =	sand.u32 $0xFFFFFC00, s23;
	s23 =	sand.u32 $0x400, s23  }
0x12: {  	v5 =	vld [tilespmem:s18+$0xFFFFFFD0];
	[tilespmem:s19+$0x2040 ss:$0x81] =	vst.msk $0xffff, v4;
	s27 =	sand.u32 $0x380, s25;
	s30 =	sand.u32 s29, s10;
	s25 =	smov.u32 s11  }
0x13: {  	v58 =	vld [tilespmem:s18+$0xFFFFFFE0];
	[tilespmem:s19+$0x2850 ss:$0x81] =	vst.msk $0xffff, v3;
	s26 =	sshra.s32 s11, $0x1F;
	s21 =	sadd.s32 s24, s21;
	s22 =	sor.u32 s22, s23  }
0x14: {  	v59 =	vld [tilespmem:s18+$0xFFFFFFF0];
	[tilespmem:s19+$0x3060 ss:$0x81] =	vst.msk $0xffff, v2;
	s23 =	smov.u32 s10;
	s31 =	sand.u32 s26, s11;
	s22 =	sor.u32 s27, s22  }
0x15: {  	v60 =	vld [tilespmem:s18+$0x0];
	[tilespmem:s19+$0x0 ss:$0x81] =	vst.msk $0xffff, v1;
	s21 =	sshrl.u32 s21, $0xB;
	s23 =	simm.s32 @!p1 $0xE9E0;
	p1 =	sgt.s32 s11, $0x780  }
0x16: {  	v61 =	vld [tilespmem:s18+$0x10];
	[tilespmem:s20+$0x3870 ss:$0x81] =	vst.msk $0xffff, v0;
	s28 =	smulhi.u32 $0x1179ED, s21;
	s19 =	ssub.s32 s23, s30;
	s25 =	simm.s32 @!p1 $0x780  }
0x17: {  	v62 =	vld [tilespmem:s18+$0x20];
	[tilespmem:s20+$0x810 ss:$0x81] =	vst.msk $0xffff, v5;
	s23 =	ssub.s32 s25, s31;
	s26 =	sadd.s32 $0xFFFF1620, s19;
	s19 =	ssub.s32 $0xEA60, s19  }
0x18: {  	v63 =	vld [tilespmem:s18+$0xFFFFFFC0];
	[tilespmem:s20+$0x1020 ss:$0x81] =	vst.msk $0xffff, v58;
	s24 =	sshrl.u32 s28, $0x4;
	p1 =	sgt.s32 s26, $0x7F;
	s28 =	sadd.s32 $0xFFFFF880, s23  }
0x19: {  	[tilespmem:s20+$0x1830 ss:$0x81] =	vst.msk $0xffff, v59;
	s23 =	ssub.s32 $0x800, s23;
	s27 =	smul.u32 $0xEA60, s24;
	p2 =	sgt.s32 s28, $0x7F  }
0x1a: {  	s29 =	sshrl.u32 s22, $0x3;
	[tilespmem:s20+$0x2040 ss:$0x81] =	vst.msk $0xffff, v60;
	s19 =	simm.s32 @p1 $0x0;
	s23 =	simm.s32 @p2 $0x0  }
0x1b: {  	s30 =	sand.u32 $0x7, s11;
	[tilespmem:s20+$0x2850 ss:$0x81] =	vst.msk $0xffff, v61;
	s18 =	ssub.s32 s21, s27;
	s19 =	smul.u32 s23, s19  }
0x1c: {  	[tilespmem:s20+$0x3060 ss:$0x81] =	vst.msk $0xffff, v62;
	s22 =	sshll.u32 s30, $0x12;
	s21 =	sadd.s32 s3, s29;
	s18 =	sshll.u32 s18, $0x8  }
0x1d: {  	[tilespmem:s20+$0x0 ss:$0x81] =	vst.msk $0xffff, v63;
	s31 =	sor.u32 $0x400, s22;
	s19 =	sand.u32 $0x3FFFFFFF, s19;
	s18 =	sadd.s32 s18, s21  }
0x1e: {  	[hbm4b:s18+s31] =	stream.strided.scatter [tilespmem:s17], [sflag:$0x2], s19, s9, s31, $0x20;
	[tilespmem:$0x10100] =	vst v63  }
.LBB1_5:
0x1f: {  	p1 =	slt.u32 s14, $0x2  }
0x20: {  	s18 =	smov.u32 s16;
	p2 =	sgt.s32 @!p1 s16, $0xE9E0;
	s17 =	sshra.s32 @!p1 s16, $0x1F  }
0x21: {  	p3 =	sgt.s32 @!p1 s15, $0x780;
	s19 =	sshra.s32 @!p1 s15, $0x1F;
	p2 =	por !p2, p1  }
0x22: {  	s16 =	sand.u32 @!p1 s17, s16;
	p3 =	por !p3, p1;
	s17 =	smov.u32 s15  }
0x23: {  	s15 =	sand.u32 @!p1 s19, s15;
	s18 =	simm.s32 @p2 $0xE9E0;
	s17 =	simm.s32 @p3 $0x780  }
0x24: {  	s16 =	ssub.s32 @!p1 s18, s16;
	s15 =	ssub.s32 @!p1 s17, s15  }
0x25: {  	s19 =	smov.u32 s13;
	s17 =	sadd.s32 @!p1 $0xFFFF1620, s16;
	s18 =	sadd.s32 @!p1 $0xFFFFF880, s15  }
0x26: {  	s16 =	ssub.s32 @!p1 $0xEA60, s16;
	p2 =	sgt.s32 @!p1 s17, $0x7F;
	p3 =	sgt.s32 @!p1 s18, $0x7F  }
0x27: {  	s15 =	ssub.s32 @!p1 $0x800, s15;
	p2 =	por !p2, p1;
	p3 =	por !p3, p1  }
0x28: {  	s17 =	sadd.s32 $0x100, s12;
	s16 =	simm.s32 @!p2 $0x0;
	s15 =	simm.s32 @!p3 $0x0  }
0x29: {  	p2 =	sgt.s32 s17, $0xEA5F;
	s15 =	smul.u32 @!p1 s15, s16;
	s16 =	sadd.s32 $0x800, s13  }
0x2a: {  	s19 =	smov.u32 @p2 s16  }
0x2b: {  	s17 =	smov.u32 @p2 s4;
	p2 =	sgt.s32 s19, $0x7FF  }
0x2c: {  	s19 =	smov.u32 @p2 s1;
	p2 =	sne.s32 s14, s8  }
.Ltmp1:
0x2d: {  	p0 =	por !p0, !p0;
	s18 =	simm.s32 @!p1 $0x2;
	(pc) =	sbr.rel @!p2 .LBB1_6-.Ltmp1, $4  }
0x2e: {  	s16 =	smov.u32 s10;
	s10 =	smov.u32 s12;
	s15 =	sand.u32 @!p1 $0x3FFFFFFF, s15  }
0x2f: {  	s12 =	smov.u32 s17;
	_ =	swait.ge @!p1 [sflag:s18], s15;
	s20 =	ssub.s32 @!p1 $0x0, s15  }
0x30: {  	s15 =	smov.u32 s11;
	s14 =	sadd.s32 $0x1, s14;
	[sflag:s18] =	ssyncset.done @!p1 $0x0  }
0x31: {  	s11 =	smov.u32 s13;
	s13 =	smov.u32 s19;
	[sflag:s18] =	ssyncadd.s32 @!p1 s20  }
.LBB1_1:
0x32: {  	p1 =	sge.u32 s14, s6  }
0x33: {  	s17 =	sshrl.u32 @!p1 s13, $0x3  }
0x34: {  	s18 =	sshll.u32 @!p1 s12, $0x3;
	s17 =	smul.u32 @!p1 $0x75400, s17  }
0x35: {  	s19 =	sshll.u32 @!p1 s13, $0x7;
	s18 =	sand.u32 @!p1 $0xFFFFFC00, s18  }
0x36: {  	s17 =	sadd.s32 @!p1 s17, s18;
	s18 =	sand.u32 @!p1 $0x380, s19  }
0x37: {  	s19 =	sand.u32 @!p1 $0x7F, s12;
	s17 =	sor.u32 @!p1 s18, s17  }
0x38: {  	s18 =	sor.u32 @!p1 s19, s17  }
0x39: {  	s19 =	smulhi.u32 @!p1 $0x8BBC50C9, s18;
	_ =	sdelay $0x1  }
0x3a: {  	s17 =	smulhi.u32 @!p1 $0x8BBC50C9, s17;
	s19 =	sshrl.u32 @!p1 s19, $0xF  }
0x3b: {  	s19 =	smul.u32 @!p1 $0xEA80, s19  }
0x3c: {  	s31 =	sadd.s32 $0xFFFFFFFF, s14;
	s20 =	sxor.u32 @!p1 $0xFFFFFFFF, s14;
	s17 =	sshrl.u32 @!p1 s17, $0xF  }
0x3d: {  	s20 =	sshll.u32 @!p1 s20, $0xE;
	s17 =	sand.u32 @!p1 $0x7FF, s17;
	s18 =	ssub.s32 @!p1 s18, s19  }
0x3e: {  	s17 =	smul.u32 @!p1 $0x1D50, s17;
	s19 =	sshrl.u32 @!p1 s18, $0x3;
	s18 =	sand.u32 @!p1 $0x7, s18  }
0x3f: {  	s20 =	sand.u32 @!p1 $0x4000, s20;
	s19 =	sadd.s32 @!p1 s7, s19;
	s18 =	sshll.u32 @!p1 s18, $0x12  }
0x40: {  	s17 =	sadd.s32 @!p1 s17, s19;
	s18 =	sor.u32 @!p1 $0x400, s18;
	s19 =	simm.s32 @!p1 $0x75400  }
0x41: {  	[tilespmem:s20], [sflag:$0x1] =	stream.strided.gather @!p1 [hbm4b:s17+s18], $0x4000, s19, s18, $0x38;
	[tilespmem:$0x10100] =	vst v63  }
0x42: {  	p1 =	sge.u32 s31, s6  }
.Ltmp2:
0x43: {  	_ = 	snop;
	(pc) =	sbr.rel @p1 .LBB1_5-.Ltmp2, $1  }
0x44: {  	_ =	sdelay $0x3  }
0x45: {  	s17 =	simm.s32 $0x1  }
0x46: {  	_ =	swait.ge [sflag:s5], $0x4000;
	s17 =	simm.s32 @!p0 $0x0  }
0x47: {  	[sflag:s5] =	ssyncset.done $0x0;
	s18 =	sshll.u32 s17, $0xE  }
0x48: {  	[sflag:s5] =	ssyncadd.s32 $0xFFFFC000;
	s18 =	sor.u32 $0x40, s18  }
0x49: {  	s17 =	smul.u32 $0x10200, s17;
	v0 =	vld [tilespmem:s18+$0x30]  }
0x4a: {  	v1 =	vld [tilespmem:s18+$0xFFFFFFD0]  }
0x4b: {  	s17 =	sshrl.u32 s17, $0x2;
	v5 =	vld [tilespmem:s18+$0xFFFFFFE0]  }
0x4c: {  	v6 =	vld [tilespmem:s18+$0xFFFFFFF0];
	s20 =	sor.u32 $0x8000, s17  }
0x4d: {  	s31 =	sand.u32 $0x1, s14;
	v4 =	vld [tilespmem:s18+$0x0];
	s19 =	sadd.s32 $0x0, s20  }
0x4e: {  	v3 =	vld [tilespmem:s18+$0x10];
	s17 =	smul.u32 $0x10200, s31;
	[tilespmem:s19+$0x3870 ss:$0x81] =	vst.msk $0xffff, v0  }
0x4f: {  	v2 =	vld [tilespmem:s18+$0x20];
	[tilespmem:s19+$0x810 ss:$0x81] =	vst.msk $0xffff, v1  }
0x50: {  	s17 =	sshrl.u32 s17, $0x2;
	v1 =	vld [tilespmem:s18+$0xFFFFFFC0];
	[tilespmem:s19+$0x1020 ss:$0x81] =	vst.msk $0xffff, v5;
	s18 =	sadd.s32 $0x80, s18  }
0x51: {  	s21 =	simm.s32 $0x4;
	s22 =	simm.s32 $0x8;
	s17 =	sor.u32 $0x8000, s17;
	[tilespmem:s19+$0x1830 ss:$0x81] =	vst.msk $0xffff, v6;
	v0 =	vld [tilespmem:s18+$0x30]  }
.LBB1_3:
0x52: {  	p1 =	sne.s32 s22, $0x1FC;
	v5 =	vld [tilespmem:s18+$0xFFFFFFD0];
	[tilespmem:s19+$0x2040 ss:$0x81] =	vst.msk $0xffff, v4  }
0x53: {  	v6 =	vld [tilespmem:s18+$0xFFFFFFE0];
	[tilespmem:s19+$0x2850 ss:$0x81] =	vst.msk $0xffff, v3  }
0x54: {  	s23 =	sshra.s32 s21, $0x2;
	s21 =	smov.u32 s22;
	v7 =	vld [tilespmem:s18+$0xFFFFFFF0];
	[tilespmem:s19+$0x3060 ss:$0x81] =	vst.msk $0xffff, v2  }
.Ltmp3:
0x55: {  	v4 =	vld [tilespmem:s18+$0x0];
	[tilespmem:s19+$0x0 ss:$0x81] =	vst.msk $0xffff, v1;
	s19 =	sadd.s32 s23, s20;
	(pc) =	sbr.rel @p1 .LBB1_3-.Ltmp3, $4  }
0x56: {  	v3 =	vld [tilespmem:s18+$0x10];
	[tilespmem:s19+$0x3870 ss:$0x81] =	vst.msk $0xffff, v0  }
0x57: {  	[tilespmem:s19+$0x810 ss:$0x81] =	vst.msk $0xffff, v5;
	v2 =	vld [tilespmem:s18+$0x20]  }
0x58: {  	v1 =	vld [tilespmem:s18+$0xFFFFFFC0];
	[tilespmem:s19+$0x1020 ss:$0x81] =	vst.msk $0xffff, v6;
	s18 =	sadd.s32 $0x80, s18  }
0x59: {  	s22 =	sadd.s32 $0x4, s22;
	v0 =	vld [tilespmem:s18+$0x30];
	[tilespmem:s19+$0x1830 ss:$0x81] =	vst.msk $0xffff, v7  }
.Ltmp4:
0x5a: {  	_ = 	snop;
	(pc) =	sbr.rel .LBB1_4-.Ltmp4, $1  }
0x5b: {  	_ =	sdelay $0x3  }
.LBB1_6:
0x5c: {  	_ =	sfence.sel $0x180000  }
0x5d: {  	s1 =	simm.s32 $0x1;
	[bflag:$0x0] =	sbarrier.arrive $0xFFFF  }
0x5e: {  	s31 =	simm.s32 $0x2;
	[sflag:s1] =	ssyncpa.u1 $0x1  }
0x5f: {  	[sflag:s31] =	ssyncpa.u1 $0x1  }
0x60: {  	p0 =	sne.s32 s0, $0x0;
	_ =	strace $0x90000047  }
0x61: {  	s0 =	sadd.s32 @!p0 $0x100000, s2;
	[bflag:$0x2] =	sbarrier.arrive $0xFFFF  }
0x62: {  	[sflag:s0] =	ssyncadd.tile.s32 @!p0 $0x1;
	_ =	shalt  }
.Lfunc_end1:
_tile_overlayer_lowered:
.L_overlay_start_2:
0x63: {  	(tag) =	ssettag $0x2  }
0x64: {  	s0 =	rddreg [dreg:$0x0];
	s2 =	stileid.u32  }
0x65: {  	s1 =	rddreg [dreg:$0x1];
	p0 =	sne.s32 s2, $0x0  }
0x66: {  	s3 =	rddreg [dreg:$0x2];
	[bflag:$0x3] =	sbarrier.arrive $0xFFFF;
	s2 =	simm.s32 @!p0 $0x1C01  }
0x67: {  	[timem:s3], [sflag:s2] =	dma.local @!p0 [hbm:s0], s1  }
0x68: {  	s0 =	simm.s32 @!p0 $0x1  }
0x69: {  	_ =	swait.ge @!p0 [sflag:s0], s1  }
0x6a: {  	s1 =	ssub.s32 @!p0 $0x0, s1;
	[sflag:s0] =	ssyncset.done @!p0 $0x0  }
0x6b: {  	[sflag:s0] =	ssyncadd.s32 @!p0 s1  }
0x6c: {  	[bflag:$0x3] =	sbarrier.arrive $0xFFFF  }
0x6d: {  	_ =	shalt  }

</sc_bundles>
